<compile_context>
chip_gen: v7x
topology: tpu7x:2x2x1
jax: 0.10.2.dev20260603
libtpu: 0.0.44.dev20260713+nightly
codegen_flags: <defaults>
</compile_context>

<pallas_src>
import functools

import jax
import jax.numpy as jnp
from jax import lax
from jax.experimental import pallas as pl
from jax.experimental.pallas import tpu as pltpu
from jax.experimental.pallas import tpu_sc as plsc

_B, _L, _V, _P, _T, _D = 1024, 512, 100000, 512, 2, 128
_N = _B * _L
_EPS = 1e-12

_NW = 32
_TOK_W = _N // _NW
_C = 256
_NCH = _TOK_W // _C



def _gather_body(ids_hbm, wemb_hbm, out_hbm, idx_v, rows_a, rows_b, sem):
    c = lax.axis_index("c")
    s = lax.axis_index("s")
    wid = s * 2 + c
    base_w = wid * _TOK_W

    def chunk_body(g, carry):
        base = base_w + g * _C
        gm = lax.rem(g, 4)

        @pl.when(gm == 0)
        def _():
            row0 = pl.multiple_of(base // 128, 8)
            pltpu.sync_copy(ids_hbm.at[pl.ds(row0, 8)], idx_v)

        def run(rows_v):
            cps = [
                pltpu.async_copy(
                    wemb_hbm.at[idx_v.at[gm * 2 + j]],
                    rows_v.at[pl.ds(j * 128, 128)],
                    sem,
                )
                for j in range(_C // 128)
            ]
            for cp in cps:
                cp.wait()
            pltpu.sync_copy(rows_v, out_hbm.at[pl.ds(base, _C)])

        @pl.when(lax.rem(g, 2) == 0)
        def _():
            run(rows_a)

        @pl.when(lax.rem(g, 2) == 1)
        def _():
            run(rows_b)

        return carry

    lax.fori_loop(0, _NCH, chunk_body, 0)


_sc_gather = pl.kernel(
    _gather_body,
    out_type=jax.ShapeDtypeStruct((_N, _D), jnp.float32),
    mesh=plsc.VectorSubcoreMesh(core_axis_name="c", subcore_axis_name="s"),
    compiler_params=pltpu.CompilerParams(needs_layout_passes=False),
    scratch_types=[
        pltpu.VMEM((8, 128), jnp.int32),
        pltpu.VMEM((_C, _D), jnp.float32),
        pltpu.VMEM((_C, _D), jnp.float32),
        pltpu.SemaphoreType.DMA,
    ],
)



_SPS = 16
_BLK = _SPS * _L


def _ln_body(x_ref, ttf_ref, pos_ref, temb_ref, gam_ref, bet_ref, o_ref):
    x = x_ref[...]
    ttf = ttf_ref[...]
    t0 = temb_ref[0:1, :]
    t1 = temb_ref[1:2, :]
    x = x + pos_ref[...] + t0 + ttf * (t1 - t0)
    mean = jnp.mean(x, axis=-1, keepdims=True)
    xc = x - mean
    var = jnp.mean(xc * xc, axis=-1, keepdims=True)
    inv = lax.rsqrt(var + _EPS)
    o_ref[...] = xc * inv * gam_ref[...] + bet_ref[...]


_tc_ln = pl.pallas_call(
    _ln_body,
    grid=(_B // _SPS,),
    in_specs=[
        pl.BlockSpec((_BLK, _D), lambda i: (i, 0)),
        pl.BlockSpec((_BLK, 1), lambda i: (i, 0)),
        pl.BlockSpec((_BLK, _D), lambda i: (0, 0)),
        pl.BlockSpec((_T, _D), lambda i: (0, 0)),
        pl.BlockSpec((1, _D), lambda i: (0, 0)),
        pl.BlockSpec((1, _D), lambda i: (0, 0)),
    ],
    out_specs=pl.BlockSpec((_BLK, _D), lambda i: (i, 0)),
    out_shape=jax.ShapeDtypeStruct((_N, _D), jnp.float32),
)


def kernel(input_ids, token_type_ids, word_emb, pos_emb, type_emb,
           ln_gamma, ln_beta):
    ids = input_ids.reshape(-1).astype(jnp.int32).reshape(_N // 128, 128)
    ttf = token_type_ids.reshape(_N, 1).astype(jnp.float32)
    rows = _sc_gather(ids, word_emb.astype(jnp.float32))
    pos_t = jnp.tile(pos_emb.astype(jnp.float32), (_SPS, 1))
    out = _tc_ln(rows, ttf, pos_t, type_emb.astype(jnp.float32),
                 ln_gamma.astype(jnp.float32).reshape(1, _D),
                 ln_beta.astype(jnp.float32).reshape(1, _D))
    return out.reshape(_B, _L, _D)

# --- scband reference (transcript-rebuilt; emitter-appended) ---
"""Pipeline reference for scband-bert-embedding-9758165696794 (READ-ONLY COPY).

The authoritative reference and input builder live on the scoring server;
editing this copy changes nothing except your own understanding.
"""

import jax, jax.numpy as jnp
import numpy as np

B, L, V, P, T, D = 1024, 512, 100000, 512, 2, 128
EPS = 1e-12


def setup_inputs(seed: int = 0) -> dict:
    key = jax.random.key(seed)
    k1, k2, k3, k4, k5 = jax.random.split(key, 5)
    return {
        "input_ids": jax.random.randint(k1, (B, L), 0, V),
        "token_type_ids": jax.random.randint(k2, (B, L), 0, T),
        "word_emb": jax.random.normal(k3, (V, D), dtype=jnp.float32) * 0.02,
        "pos_emb": jax.random.normal(k4, (P, D), dtype=jnp.float32) * 0.02,
        "type_emb": jax.random.normal(k5, (T, D), dtype=jnp.float32) * 0.02,
        "ln_gamma": jnp.ones((D,), dtype=jnp.float32),
        "ln_beta": jnp.zeros((D,), dtype=jnp.float32),
    }


def reference(input_ids, token_type_ids, word_emb, pos_emb, type_emb, ln_gamma, ln_beta):
    seq_len = input_ids.shape[1]
    # word embedding lookup (gather)
    inputs_embeds = jnp.take(word_emb, input_ids, axis=0)
    # absolute position embeddings: position_ids[:, 0:seq_len]
    position_embeddings = jnp.take(pos_emb, jnp.arange(seq_len), axis=0)[None, :, :]
    # token type embedding lookup (gather)
    token_type_embeddings = jnp.take(type_emb, token_type_ids, axis=0)
    embeddings = inputs_embeds + position_embeddings + token_type_embeddings
    # LayerNorm over last dim
    mean = jnp.mean(embeddings, axis=-1, keepdims=True)
    var = jnp.var(embeddings, axis=-1, keepdims=True)
    normed = (embeddings - mean) / jnp.sqrt(var + EPS)
    return normed * ln_gamma + ln_beta

if __name__ == "__main__":
    import jax
    _d = setup_inputs()
    print(jax.jit(kernel)(*tuple(_d.values())))

</pallas_src>

<mosaic_0001>
#map = affine_map<(d0, d1) -> (0, 0)>
module attributes {stable_mosaic.version = 14 : i64} {
  func.func @_gather_body(%arg0: i32, %arg1: i32, %arg2: memref<4096x128xi32, #tpu.memory_space<hbm>>, %arg3: memref<100000x128xf32, #tpu.memory_space<hbm>>, %arg4: memref<524288x128xf32, #tpu.memory_space<hbm>>, %arg5: memref<8x128xi32, #tpu.memory_space<vmem>>, %arg6: memref<256x128xf32, #tpu.memory_space<vmem>>, %arg7: memref<256x128xf32, #tpu.memory_space<vmem>>, %arg8: memref<!tpu.dma_semaphore, #tpu.memory_space<semaphore_mem>>) attributes {dimension_semantics = [#tpu.dimension_semantics<core_parallel>, #tpu.dimension_semantics<subcore_parallel>], iteration_bounds = array<i64: 2, 16>, scalar_prefetch = 0 : i64, scratch_operands = 4 : i64, tpu.core_type = #tpu.core_type<sc_vector_subcore>, window_params = [{transform_indices = #map}, {transform_indices = #map}, {transform_indices = #map}]} {
    %mul3A = arith.constant 2 : i32
    %mul3A_0 = arith.muli %arg1, %mul3A : i32
    %add3A = arith.addi %mul3A_0, %arg0 : i32
    %mul3A_1 = arith.constant 16384 : i32
    %mul3A_2 = arith.muli %add3A, %mul3A_1 : i32
    %scan3A = arith.constant 0 : i32
    %scan3A_3 = arith.constant 0 : i32
    %scan3A_4 = arith.constant 64 : i32
    %scan3A_5 = arith.addi %scan3A_3, %scan3A_4 : i32
    %scan3A_6 = arith.constant 1 : i32
    scf.for %scan3A_8 = %scan3A_3 to %scan3A_5 step %scan3A_6  : i32 {
      %mul3A_9 = arith.constant 256 : i32
      %mul3A_10 = arith.muli %scan3A_8, %mul3A_9 : i32
      %add3A_11 = arith.addi %mul3A_2, %mul3A_10 : i32
      %rem3A = arith.constant 4 : i32
      %rem3A_12 = arith.remsi %scan3A_8, %rem3A : i32
      %eq3A = arith.constant 0 : i32
      %eq3A_13 = arith.cmpi eq, %rem3A_12, %eq3A : i32
      %convert_element_type3A = arith.extui %eq3A_13 : i1 to i32
      %cond3A = arith.constant 0 : i32
      %cond3A_14 = arith.cmpi ne, %convert_element_type3A, %cond3A : i32
      scf.if %cond3A_14 {
        %jit3A = arith.constant 128 : i32
        %div3A = arith.divsi %add3A_11, %jit3A : i32
        %sign3A = arith.constant 0 : i32
        %sign3A_29 = arith.cmpi sgt, %add3A_11, %sign3A : i32
        %sign3A_30 = arith.extui %sign3A_29 : i1 to i32
        %sign3A_31 = arith.constant 0 : i32
        %sign3A_32 = arith.cmpi slt, %add3A_11, %sign3A_31 : i32
        %sign3A_33 = arith.extui %sign3A_32 : i1 to i32
        %sign3A_34 = arith.subi %sign3A_30, %sign3A_33 : i32
        %sign3A_35 = arith.constant 0 : i32
        %sign3A_36 = arith.cmpi sgt, %jit3A, %sign3A_35 : i32
        %sign3A_37 = arith.extui %sign3A_36 : i1 to i32
        %sign3A_38 = arith.constant 0 : i32
        %sign3A_39 = arith.cmpi slt, %jit3A, %sign3A_38 : i32
        %sign3A_40 = arith.extui %sign3A_39 : i1 to i32
        %sign3A_41 = arith.subi %sign3A_37, %sign3A_40 : i32
        %ne3A = arith.cmpi ne, %sign3A_34, %sign3A_41 : i32
        %rem3A_42 = arith.remsi %add3A_11, %jit3A : i32
        %ne3A_43 = arith.constant 0 : i32
        %ne3A_44 = arith.cmpi ne, %rem3A_42, %ne3A_43 : i32
        %and3A = arith.andi %ne3A, %ne3A_44 : i1
        %sub3A = arith.constant 1 : i32
        %sub3A_45 = arith.subi %div3A, %sub3A : i32
        %select_n3A = arith.select %and3A, %sub3A_45, %div3A : i32
        %multiple_of3A = tpu.assume_multiple %select_n3A, 8 : i32
        "tpu.region"() ({
          %run_scoped3A = tpu.sem_alloc : memref<!tpu.dma_semaphore, #tpu.memory_space<semaphore_mem>>
          %dma_start3A = arith.constant 0 : i32
          %dma_start3A_46 = tpu.memref_slice %arg2[%multiple_of3A, %dma_start3A] : memref<4096x128xi32, #tpu.memory_space<hbm>> -> memref<8x128xi32, #tpu.memory_space<hbm>>
          %dma_start3A_47 = arith.constant 0 : i32
          %dma_start3A_48 = tpu.memref_slice %arg2[%multiple_of3A, %dma_start3A_47] : memref<4096x128xi32, #tpu.memory_space<hbm>> -> memref<8x128xi32, #tpu.memory_space<hbm>>
          tpu.enqueue_dma source(%dma_start3A_48 : memref<8x128xi32, #tpu.memory_space<hbm>>) target(%arg5 : memref<8x128xi32, #tpu.memory_space<vmem>>) target_semaphore(%run_scoped3A : memref<!tpu.dma_semaphore, #tpu.memory_space<semaphore_mem>>)
          %dma_wait3A = arith.constant 0 : i32
          %dma_wait3A_49 = tpu.memref_slice %arg2[%multiple_of3A, %dma_wait3A] : memref<4096x128xi32, #tpu.memory_space<hbm>> -> memref<8x128xi32, #tpu.memory_space<hbm>>
          %dma_wait3A_50 = arith.constant 0 : i32
          %dma_wait3A_51 = tpu.memref_slice %arg2[%multiple_of3A, %dma_wait3A_50] : memref<4096x128xi32, #tpu.memory_space<hbm>> -> memref<8x128xi32, #tpu.memory_space<hbm>>
          tpu.wait_dma2 semaphore(%run_scoped3A : memref<!tpu.dma_semaphore, #tpu.memory_space<semaphore_mem>>) src(%dma_wait3A_51 : memref<8x128xi32, #tpu.memory_space<hbm>>) dst(%arg5 : memref<8x128xi32, #tpu.memory_space<vmem>>)
          tpu.yield
        }) : () -> ()
      } else {
      }
      %rem3A_15 = arith.constant 2 : i32
      %rem3A_16 = arith.remsi %scan3A_8, %rem3A_15 : i32
      %eq3A_17 = arith.constant 0 : i32
      %eq3A_18 = arith.cmpi eq, %rem3A_16, %eq3A_17 : i32
      %convert_element_type3A_19 = arith.extui %eq3A_18 : i1 to i32
      %cond3A_20 = arith.constant 0 : i32
      %cond3A_21 = arith.cmpi ne, %convert_element_type3A_19, %cond3A_20 : i32
      scf.if %cond3A_21 {
        %mul3A_29 = arith.constant 2 : i32
        %mul3A_30 = arith.muli %rem3A_12, %mul3A_29 : i32
        %add3A_31 = arith.constant 0 : i32
        %add3A_32 = arith.addi %mul3A_30, %add3A_31 : i32
        %dma_start3A = arith.constant 0 : i32
        %dma_start3A_33 = arith.constant 0 : i32
        %dma_start3A_34 = tpu.memref_slice %arg6[%dma_start3A, %dma_start3A_33] : memref<256x128xf32, #tpu.memory_space<vmem>> -> memref<128x128xf32, #tpu.memory_space<vmem>>
        %dma_start3A_35 = arith.constant 0 : i32
        %dma_start3A_36 = tpu.memref_slice %arg5[%add3A_32, %dma_start3A_35] : memref<8x128xi32, #tpu.memory_space<vmem>> -> memref<1x128xi32, #tpu.memory_space<vmem>>
        %dma_start3A_37 = tpu.memref_squeeze %dma_start3A_36 : memref<1x128xi32, #tpu.memory_space<vmem>> -> memref<128xi32, #tpu.memory_space<vmem>>
        %dma_start3A_38 = arith.constant 0 : i32
        %dma_start3A_39 = arith.constant 0 : i32
        %dma_start3A_40 = tpu.memref_slice %arg3[%dma_start3A_38, %dma_start3A_39] : memref<100000x128xf32, #tpu.memory_space<hbm>> -> memref<100000x128xf32, #tpu.memory_space<hbm>>
        tpu.enqueue_indirect_dma source(%dma_start3A_40 : memref<100000x128xf32, #tpu.memory_space<hbm>>) target(%dma_start3A_34 : memref<128x128xf32, #tpu.memory_space<vmem>>) offsets(%dma_start3A_37 : memref<128xi32, #tpu.memory_space<vmem>>) semaphore(%arg8 : memref<!tpu.dma_semaphore, #tpu.memory_space<semaphore_mem>>)
        %mul3A_41 = arith.constant 2 : i32
        %mul3A_42 = arith.muli %rem3A_12, %mul3A_41 : i32
        %add3A_43 = arith.constant 1 : i32
        %add3A_44 = arith.addi %mul3A_42, %add3A_43 : i32
        %dma_start3A_45 = arith.constant 128 : i32
        %dma_start3A_46 = arith.constant 0 : i32
        %dma_start3A_47 = tpu.memref_slice %arg6[%dma_start3A_45, %dma_start3A_46] : memref<256x128xf32, #tpu.memory_space<vmem>> -> memref<128x128xf32, #tpu.memory_space<vmem>>
        %dma_start3A_48 = arith.constant 0 : i32
        %dma_start3A_49 = tpu.memref_slice %arg5[%add3A_44, %dma_start3A_48] : memref<8x128xi32, #tpu.memory_space<vmem>> -> memref<1x128xi32, #tpu.memory_space<vmem>>
        %dma_start3A_50 = tpu.memref_squeeze %dma_start3A_49 : memref<1x128xi32, #tpu.memory_space<vmem>> -> memref<128xi32, #tpu.memory_space<vmem>>
        %dma_start3A_51 = arith.constant 0 : i32
        %dma_start3A_52 = arith.constant 0 : i32
        %dma_start3A_53 = tpu.memref_slice %arg3[%dma_start3A_51, %dma_start3A_52] : memref<100000x128xf32, #tpu.memory_space<hbm>> -> memref<100000x128xf32, #tpu.memory_space<hbm>>
        tpu.enqueue_indirect_dma source(%dma_start3A_53 : memref<100000x128xf32, #tpu.memory_space<hbm>>) target(%dma_start3A_47 : memref<128x128xf32, #tpu.memory_space<vmem>>) offsets(%dma_start3A_50 : memref<128xi32, #tpu.memory_space<vmem>>) semaphore(%arg8 : memref<!tpu.dma_semaphore, #tpu.memory_space<semaphore_mem>>)
        %dma_wait3A = arith.constant 0 : i32
        %dma_wait3A_54 = arith.constant 0 : i32
        %dma_wait3A_55 = tpu.memref_slice %arg6[%dma_wait3A, %dma_wait3A_54] : memref<256x128xf32, #tpu.memory_space<vmem>> -> memref<128x128xf32, #tpu.memory_space<vmem>>
        %dma_wait3A_56 = arith.constant 0 : i32
        %dma_wait3A_57 = tpu.memref_slice %arg5[%add3A_32, %dma_wait3A_56] : memref<8x128xi32, #tpu.memory_space<vmem>> -> memref<1x128xi32, #tpu.memory_space<vmem>>
        %dma_wait3A_58 = tpu.memref_squeeze %dma_wait3A_57 : memref<1x128xi32, #tpu.memory_space<vmem>> -> memref<128xi32, #tpu.memory_space<vmem>>
        %dma_wait3A_59 = arith.constant 0 : i32
        %dma_wait3A_60 = arith.constant 0 : i32
        %dma_wait3A_61 = tpu.memref_slice %arg3[%dma_wait3A_59, %dma_wait3A_60] : memref<100000x128xf32, #tpu.memory_space<hbm>> -> memref<100000x128xf32, #tpu.memory_space<hbm>>
        tpu.wait_indirect_dma semaphore(%arg8 : memref<!tpu.dma_semaphore, #tpu.memory_space<semaphore_mem>>) src(%dma_wait3A_61 : memref<100000x128xf32, #tpu.memory_space<hbm>>) dst(%dma_wait3A_55 : memref<128x128xf32, #tpu.memory_space<vmem>>)
        %dma_wait3A_62 = arith.constant 128 : i32
        %dma_wait3A_63 = arith.constant 0 : i32
        %dma_wait3A_64 = tpu.memref_slice %arg6[%dma_wait3A_62, %dma_wait3A_63] : memref<256x128xf32, #tpu.memory_space<vmem>> -> memref<128x128xf32, #tpu.memory_space<vmem>>
        %dma_wait3A_65 = arith.constant 0 : i32
        %dma_wait3A_66 = tpu.memref_slice %arg5[%add3A_44, %dma_wait3A_65] : memref<8x128xi32, #tpu.memory_space<vmem>> -> memref<1x128xi32, #tpu.memory_space<vmem>>
        %dma_wait3A_67 = tpu.memref_squeeze %dma_wait3A_66 : memref<1x128xi32, #tpu.memory_space<vmem>> -> memref<128xi32, #tpu.memory_space<vmem>>
        %dma_wait3A_68 = arith.constant 0 : i32
        %dma_wait3A_69 = arith.constant 0 : i32
        %dma_wait3A_70 = tpu.memref_slice %arg3[%dma_wait3A_68, %dma_wait3A_69] : memref<100000x128xf32, #tpu.memory_space<hbm>> -> memref<100000x128xf32, #tpu.memory_space<hbm>>
        tpu.wait_indirect_dma semaphore(%arg8 : memref<!tpu.dma_semaphore, #tpu.memory_space<semaphore_mem>>) src(%dma_wait3A_70 : memref<100000x128xf32, #tpu.memory_space<hbm>>) dst(%dma_wait3A_64 : memref<128x128xf32, #tpu.memory_space<vmem>>)
        "tpu.region"() ({
          %run_scoped3A = tpu.sem_alloc : memref<!tpu.dma_semaphore, #tpu.memory_space<semaphore_mem>>
          %dma_start3A_71 = arith.constant 0 : i32
          %dma_start3A_72 = tpu.memref_slice %arg4[%add3A_11, %dma_start3A_71] : memref<524288x128xf32, #tpu.memory_space<hbm>> -> memref<256x128xf32, #tpu.memory_space<hbm>>
          %dma_start3A_73 = arith.constant 0 : i32
          %dma_start3A_74 = tpu.memref_slice %arg4[%add3A_11, %dma_start3A_73] : memref<524288x128xf32, #tpu.memory_space<hbm>> -> memref<256x128xf32, #tpu.memory_space<hbm>>
          tpu.enqueue_dma source(%arg6 : memref<256x128xf32, #tpu.memory_space<vmem>>) target(%dma_start3A_74 : memref<256x128xf32, #tpu.memory_space<hbm>>) target_semaphore(%run_scoped3A : memref<!tpu.dma_semaphore, #tpu.memory_space<semaphore_mem>>)
          %dma_wait3A_75 = arith.constant 0 : i32
          %dma_wait3A_76 = tpu.memref_slice %arg4[%add3A_11, %dma_wait3A_75] : memref<524288x128xf32, #tpu.memory_space<hbm>> -> memref<256x128xf32, #tpu.memory_space<hbm>>
          %dma_wait3A_77 = arith.constant 0 : i32
          %dma_wait3A_78 = tpu.memref_slice %arg4[%add3A_11, %dma_wait3A_77] : memref<524288x128xf32, #tpu.memory_space<hbm>> -> memref<256x128xf32, #tpu.memory_space<hbm>>
          tpu.wait_dma2 semaphore(%run_scoped3A : memref<!tpu.dma_semaphore, #tpu.memory_space<semaphore_mem>>) src(%arg6 : memref<256x128xf32, #tpu.memory_space<vmem>>) dst(%dma_wait3A_78 : memref<256x128xf32, #tpu.memory_space<hbm>>)
          tpu.yield
        }) : () -> ()
      } else {
      }
      %rem3A_22 = arith.constant 2 : i32
      %rem3A_23 = arith.remsi %scan3A_8, %rem3A_22 : i32
      %eq3A_24 = arith.constant 1 : i32
      %eq3A_25 = arith.cmpi eq, %rem3A_23, %eq3A_24 : i32
      %convert_element_type3A_26 = arith.extui %eq3A_25 : i1 to i32
      %cond3A_27 = arith.constant 0 : i32
      %cond3A_28 = arith.cmpi ne, %convert_element_type3A_26, %cond3A_27 : i32
      scf.if %cond3A_28 {
        %mul3A_29 = arith.constant 2 : i32
        %mul3A_30 = arith.muli %rem3A_12, %mul3A_29 : i32
        %add3A_31 = arith.constant 0 : i32
        %add3A_32 = arith.addi %mul3A_30, %add3A_31 : i32
        %dma_start3A = arith.constant 0 : i32
        %dma_start3A_33 = arith.constant 0 : i32
        %dma_start3A_34 = tpu.memref_slice %arg7[%dma_start3A, %dma_start3A_33] : memref<256x128xf32, #tpu.memory_space<vmem>> -> memref<128x128xf32, #tpu.memory_space<vmem>>
        %dma_start3A_35 = arith.constant 0 : i32
        %dma_start3A_36 = tpu.memref_slice %arg5[%add3A_32, %dma_start3A_35] : memref<8x128xi32, #tpu.memory_space<vmem>> -> memref<1x128xi32, #tpu.memory_space<vmem>>
        %dma_start3A_37 = tpu.memref_squeeze %dma_start3A_36 : memref<1x128xi32, #tpu.memory_space<vmem>> -> memref<128xi32, #tpu.memory_space<vmem>>
        %dma_start3A_38 = arith.constant 0 : i32
        %dma_start3A_39 = arith.constant 0 : i32
        %dma_start3A_40 = tpu.memref_slice %arg3[%dma_start3A_38, %dma_start3A_39] : memref<100000x128xf32, #tpu.memory_space<hbm>> -> memref<100000x128xf32, #tpu.memory_space<hbm>>
        tpu.enqueue_indirect_dma source(%dma_start3A_40 : memref<100000x128xf32, #tpu.memory_space<hbm>>) target(%dma_start3A_34 : memref<128x128xf32, #tpu.memory_space<vmem>>) offsets(%dma_start3A_37 : memref<128xi32, #tpu.memory_space<vmem>>) semaphore(%arg8 : memref<!tpu.dma_semaphore, #tpu.memory_space<semaphore_mem>>)
        %mul3A_41 = arith.constant 2 : i32
        %mul3A_42 = arith.muli %rem3A_12, %mul3A_41 : i32
        %add3A_43 = arith.constant 1 : i32
        %add3A_44 = arith.addi %mul3A_42, %add3A_43 : i32
        %dma_start3A_45 = arith.constant 128 : i32
        %dma_start3A_46 = arith.constant 0 : i32
        %dma_start3A_47 = tpu.memref_slice %arg7[%dma_start3A_45, %dma_start3A_46] : memref<256x128xf32, #tpu.memory_space<vmem>> -> memref<128x128xf32, #tpu.memory_space<vmem>>
        %dma_start3A_48 = arith.constant 0 : i32
        %dma_start3A_49 = tpu.memref_slice %arg5[%add3A_44, %dma_start3A_48] : memref<8x128xi32, #tpu.memory_space<vmem>> -> memref<1x128xi32, #tpu.memory_space<vmem>>
        %dma_start3A_50 = tpu.memref_squeeze %dma_start3A_49 : memref<1x128xi32, #tpu.memory_space<vmem>> -> memref<128xi32, #tpu.memory_space<vmem>>
        %dma_start3A_51 = arith.constant 0 : i32
        %dma_start3A_52 = arith.constant 0 : i32
        %dma_start3A_53 = tpu.memref_slice %arg3[%dma_start3A_51, %dma_start3A_52] : memref<100000x128xf32, #tpu.memory_space<hbm>> -> memref<100000x128xf32, #tpu.memory_space<hbm>>
        tpu.enqueue_indirect_dma source(%dma_start3A_53 : memref<100000x128xf32, #tpu.memory_space<hbm>>) target(%dma_start3A_47 : memref<128x128xf32, #tpu.memory_space<vmem>>) offsets(%dma_start3A_50 : memref<128xi32, #tpu.memory_space<vmem>>) semaphore(%arg8 : memref<!tpu.dma_semaphore, #tpu.memory_space<semaphore_mem>>)
        %dma_wait3A = arith.constant 0 : i32
        %dma_wait3A_54 = arith.constant 0 : i32
        %dma_wait3A_55 = tpu.memref_slice %arg7[%dma_wait3A, %dma_wait3A_54] : memref<256x128xf32, #tpu.memory_space<vmem>> -> memref<128x128xf32, #tpu.memory_space<vmem>>
        %dma_wait3A_56 = arith.constant 0 : i32
        %dma_wait3A_57 = tpu.memref_slice %arg5[%add3A_32, %dma_wait3A_56] : memref<8x128xi32, #tpu.memory_space<vmem>> -> memref<1x128xi32, #tpu.memory_space<vmem>>
        %dma_wait3A_58 = tpu.memref_squeeze %dma_wait3A_57 : memref<1x128xi32, #tpu.memory_space<vmem>> -> memref<128xi32, #tpu.memory_space<vmem>>
        %dma_wait3A_59 = arith.constant 0 : i32
        %dma_wait3A_60 = arith.constant 0 : i32
        %dma_wait3A_61 = tpu.memref_slice %arg3[%dma_wait3A_59, %dma_wait3A_60] : memref<100000x128xf32, #tpu.memory_space<hbm>> -> memref<100000x128xf32, #tpu.memory_space<hbm>>
        tpu.wait_indirect_dma semaphore(%arg8 : memref<!tpu.dma_semaphore, #tpu.memory_space<semaphore_mem>>) src(%dma_wait3A_61 : memref<100000x128xf32, #tpu.memory_space<hbm>>) dst(%dma_wait3A_55 : memref<128x128xf32, #tpu.memory_space<vmem>>)
        %dma_wait3A_62 = arith.constant 128 : i32
        %dma_wait3A_63 = arith.constant 0 : i32
        %dma_wait3A_64 = tpu.memref_slice %arg7[%dma_wait3A_62, %dma_wait3A_63] : memref<256x128xf32, #tpu.memory_space<vmem>> -> memref<128x128xf32, #tpu.memory_space<vmem>>
        %dma_wait3A_65 = arith.constant 0 : i32
        %dma_wait3A_66 = tpu.memref_slice %arg5[%add3A_44, %dma_wait3A_65] : memref<8x128xi32, #tpu.memory_space<vmem>> -> memref<1x128xi32, #tpu.memory_space<vmem>>
        %dma_wait3A_67 = tpu.memref_squeeze %dma_wait3A_66 : memref<1x128xi32, #tpu.memory_space<vmem>> -> memref<128xi32, #tpu.memory_space<vmem>>
        %dma_wait3A_68 = arith.constant 0 : i32
        %dma_wait3A_69 = arith.constant 0 : i32
        %dma_wait3A_70 = tpu.memref_slice %arg3[%dma_wait3A_68, %dma_wait3A_69] : memref<100000x128xf32, #tpu.memory_space<hbm>> -> memref<100000x128xf32, #tpu.memory_space<hbm>>
        tpu.wait_indirect_dma semaphore(%arg8 : memref<!tpu.dma_semaphore, #tpu.memory_space<semaphore_mem>>) src(%dma_wait3A_70 : memref<100000x128xf32, #tpu.memory_space<hbm>>) dst(%dma_wait3A_64 : memref<128x128xf32, #tpu.memory_space<vmem>>)
        "tpu.region"() ({
          %run_scoped3A = tpu.sem_alloc : memref<!tpu.dma_semaphore, #tpu.memory_space<semaphore_mem>>
          %dma_start3A_71 = arith.constant 0 : i32
          %dma_start3A_72 = tpu.memref_slice %arg4[%add3A_11, %dma_start3A_71] : memref<524288x128xf32, #tpu.memory_space<hbm>> -> memref<256x128xf32, #tpu.memory_space<hbm>>
          %dma_start3A_73 = arith.constant 0 : i32
          %dma_start3A_74 = tpu.memref_slice %arg4[%add3A_11, %dma_start3A_73] : memref<524288x128xf32, #tpu.memory_space<hbm>> -> memref<256x128xf32, #tpu.memory_space<hbm>>
          tpu.enqueue_dma source(%arg7 : memref<256x128xf32, #tpu.memory_space<vmem>>) target(%dma_start3A_74 : memref<256x128xf32, #tpu.memory_space<hbm>>) target_semaphore(%run_scoped3A : memref<!tpu.dma_semaphore, #tpu.memory_space<semaphore_mem>>)
          %dma_wait3A_75 = arith.constant 0 : i32
          %dma_wait3A_76 = tpu.memref_slice %arg4[%add3A_11, %dma_wait3A_75] : memref<524288x128xf32, #tpu.memory_space<hbm>> -> memref<256x128xf32, #tpu.memory_space<hbm>>
          %dma_wait3A_77 = arith.constant 0 : i32
          %dma_wait3A_78 = tpu.memref_slice %arg4[%add3A_11, %dma_wait3A_77] : memref<524288x128xf32, #tpu.memory_space<hbm>> -> memref<256x128xf32, #tpu.memory_space<hbm>>
          tpu.wait_dma2 semaphore(%run_scoped3A : memref<!tpu.dma_semaphore, #tpu.memory_space<semaphore_mem>>) src(%arg7 : memref<256x128xf32, #tpu.memory_space<vmem>>) dst(%dma_wait3A_78 : memref<256x128xf32, #tpu.memory_space<hbm>>)
          tpu.yield
        }) : () -> ()
      } else {
      }
    }
    %scan3A_7 = arith.constant 64 : i32
    return
  }
}

module attributes {stable_mosaic.version = 14 : i64} {
  func.func @_ln_body(%arg0: i32, %arg1: memref<8192x128xf32, #tpu.memory_space<vmem>>, %arg2: memref<8192x1xf32, #tpu.memory_space<vmem>>, %arg3: memref<8192x128xf32, #tpu.memory_space<vmem>>, %arg4: memref<2x128xf32, #tpu.memory_space<vmem>>, %arg5: memref<1x128xf32, #tpu.memory_space<vmem>>, %arg6: memref<1x128xf32, #tpu.memory_space<vmem>>, %arg7: memref<8192x128xf32, #tpu.memory_space<vmem>>) attributes {dimension_semantics = [#tpu.dimension_semantics<arbitrary>], iteration_bounds = array<i64: 64>, scalar_prefetch = 0 : i64, scratch_operands = 0 : i64, tpu.core_type = #tpu.core_type<tc>, window_params = [{transform_indices = @transform_0, window_bounds = array<i64: 8192, 128>}, {transform_indices = @transform_1, window_bounds = array<i64: 8192, 1>}, {pipeline_mode = #tpu.pipeline_mode<synchronous>, transform_indices = @transform_2, window_bounds = array<i64: 8192, 128>}, {pipeline_mode = #tpu.pipeline_mode<synchronous>, transform_indices = @transform_3, window_bounds = array<i64: 2, 128>}, {pipeline_mode = #tpu.pipeline_mode<synchronous>, transform_indices = @transform_4, window_bounds = array<i64: 1, 128>}, {pipeline_mode = #tpu.pipeline_mode<synchronous>, transform_indices = @transform_5, window_bounds = array<i64: 1, 128>}, {transform_indices = @transform_6, window_bounds = array<i64: 8192, 128>}]} {
    %get3A = arith.constant 0 : index
    %get3A_0 = arith.constant 0 : index
    %get3A_1 = vector.load %arg1[%get3A, %get3A_0] : memref<8192x128xf32, #tpu.memory_space<vmem>>, vector<8192x128xf32>
    %get3A_2 = arith.constant 0 : index
    %get3A_3 = arith.constant 0 : index
    %get3A_4 = vector.load %arg2[%get3A_2, %get3A_3] : memref<8192x1xf32, #tpu.memory_space<vmem>>, vector<8192x1xf32>
    %get3A_5 = arith.constant 0 : index
    %get3A_6 = arith.constant 0 : index
    %get3A_7 = vector.load %arg4[%get3A_5, %get3A_6] : memref<2x128xf32, #tpu.memory_space<vmem>>, vector<1x128xf32>
    %get3A_8 = arith.constant 1 : index
    %get3A_9 = arith.constant 0 : index
    %get3A_10 = vector.load %arg4[%get3A_8, %get3A_9] : memref<2x128xf32, #tpu.memory_space<vmem>>, vector<1x128xf32>
    %get3A_11 = arith.constant 0 : index
    %get3A_12 = arith.constant 0 : index
    %get3A_13 = vector.load %arg3[%get3A_11, %get3A_12] : memref<8192x128xf32, #tpu.memory_space<vmem>>, vector<8192x128xf32>
    %add3A = arith.addf %get3A_1, %get3A_13 : vector<8192x128xf32>
    %add3A_14 = vector.broadcast %get3A_7 : vector<1x128xf32> to vector<8192x128xf32>
    %add3A_15 = arith.addf %add3A, %add3A_14 : vector<8192x128xf32>
    %sub3A = arith.subf %get3A_10, %get3A_7 : vector<1x128xf32>
    %mul3A = vector.broadcast %get3A_4 : vector<8192x1xf32> to vector<8192x128xf32>
    %mul3A_16 = vector.broadcast %sub3A : vector<1x128xf32> to vector<8192x128xf32>
    %mul3A_17 = arith.mulf %mul3A, %mul3A_16 : vector<8192x128xf32>
    %add3A_18 = arith.addf %add3A_15, %mul3A_17 : vector<8192x128xf32>
    %reduce_sum3A = arith.constant dense<0.000000e+00> : vector<8192xf32>
    %reduce_sum3A_19 = vector.multi_reduction <add>, %add3A_18, %reduce_sum3A [1] : vector<8192x128xf32> to vector<8192xf32>
    %broadcast_in_dim3A = vector.shape_cast %reduce_sum3A_19 : vector<8192xf32> to vector<8192x1xf32>
    %div3A = arith.constant 1.280000e+02 : f32
    %div3A_20 = vector.broadcast %div3A : f32 to vector<8192x1xf32>
    %div3A_21 = arith.divf %broadcast_in_dim3A, %div3A_20 : vector<8192x1xf32>
    %sub3A_22 = vector.broadcast %div3A_21 : vector<8192x1xf32> to vector<8192x128xf32>
    %sub3A_23 = arith.subf %add3A_18, %sub3A_22 : vector<8192x128xf32>
    %mul3A_24 = arith.mulf %sub3A_23, %sub3A_23 : vector<8192x128xf32>
    %reduce_sum3A_25 = arith.constant dense<0.000000e+00> : vector<8192xf32>
    %reduce_sum3A_26 = vector.multi_reduction <add>, %mul3A_24, %reduce_sum3A_25 [1] : vector<8192x128xf32> to vector<8192xf32>
    %broadcast_in_dim3A_27 = vector.shape_cast %reduce_sum3A_26 : vector<8192xf32> to vector<8192x1xf32>
    %div3A_28 = arith.constant 1.280000e+02 : f32
    %div3A_29 = vector.broadcast %div3A_28 : f32 to vector<8192x1xf32>
    %div3A_30 = arith.divf %broadcast_in_dim3A_27, %div3A_29 : vector<8192x1xf32>
    %add3A_31 = arith.constant 9.99999996E-13 : f32
    %add3A_32 = vector.broadcast %add3A_31 : f32 to vector<8192x1xf32>
    %add3A_33 = arith.addf %div3A_30, %add3A_32 : vector<8192x1xf32>
    %rsqrt3A = math.rsqrt %add3A_33 : vector<8192x1xf32>
    %mul3A_34 = vector.broadcast %rsqrt3A : vector<8192x1xf32> to vector<8192x128xf32>
    %mul3A_35 = arith.mulf %sub3A_23, %mul3A_34 : vector<8192x128xf32>
    %get3A_36 = arith.constant 0 : index
    %get3A_37 = arith.constant 0 : index
    %get3A_38 = vector.load %arg5[%get3A_36, %get3A_37] : memref<1x128xf32, #tpu.memory_space<vmem>>, vector<1x128xf32>
    %mul3A_39 = vector.broadcast %get3A_38 : vector<1x128xf32> to vector<8192x128xf32>
    %mul3A_40 = arith.mulf %mul3A_35, %mul3A_39 : vector<8192x128xf32>
    %get3A_41 = arith.constant 0 : index
    %get3A_42 = arith.constant 0 : index
    %get3A_43 = vector.load %arg6[%get3A_41, %get3A_42] : memref<1x128xf32, #tpu.memory_space<vmem>>, vector<1x128xf32>
    %add3A_44 = vector.broadcast %get3A_43 : vector<1x128xf32> to vector<8192x128xf32>
    %add3A_45 = arith.addf %mul3A_40, %add3A_44 : vector<8192x128xf32>
    %swap3A = arith.constant 0 : index
    %swap3A_46 = arith.constant 0 : index
    %swap3A_47 = vector.load %arg7[%swap3A, %swap3A_46] : memref<8192x128xf32, #tpu.memory_space<vmem>>, vector<8192x128xf32>
    tpu.vector_store %arg7[%swap3A, %swap3A_46], %add3A_45 {strides = array<i32>} : memref<8192x128xf32, #tpu.memory_space<vmem>>, vector<8192x128xf32>,
    return
  }
  func.func @transform_0(%arg0: i32) -> (i32, i32) {
    %c0_i32 = arith.constant 0 : i32
    %c0_i32_0 = arith.constant 0 : i32
    return %arg0, %c0_i32 : i32, i32
  }
  func.func @transform_1(%arg0: i32) -> (i32, i32) {
    %c0_i32 = arith.constant 0 : i32
    %c0_i32_0 = arith.constant 0 : i32
    return %arg0, %c0_i32 : i32, i32
  }
  func.func @transform_2(%arg0: i32) -> (i32, i32) {
    %c0_i32 = arith.constant 0 : i32
    %c0_i32_0 = arith.constant 0 : i32
    %c0_i32_1 = arith.constant 0 : i32
    return %c0_i32, %c0_i32_0 : i32, i32
  }
  func.func @transform_3(%arg0: i32) -> (i32, i32) {
    %c0_i32 = arith.constant 0 : i32
    %c0_i32_0 = arith.constant 0 : i32
    %c0_i32_1 = arith.constant 0 : i32
    return %c0_i32, %c0_i32_0 : i32, i32
  }
  func.func @transform_4(%arg0: i32) -> (i32, i32) {
    %c0_i32 = arith.constant 0 : i32
    %c0_i32_0 = arith.constant 0 : i32
    %c0_i32_1 = arith.constant 0 : i32
    return %c0_i32, %c0_i32_0 : i32, i32
  }
  func.func @transform_5(%arg0: i32) -> (i32, i32) {
    %c0_i32 = arith.constant 0 : i32
    %c0_i32_0 = arith.constant 0 : i32
    %c0_i32_1 = arith.constant 0 : i32
    return %c0_i32, %c0_i32_0 : i32, i32
  }
  func.func @transform_6(%arg0: i32) -> (i32, i32) {
    %c0_i32 = arith.constant 0 : i32
    %c0_i32_0 = arith.constant 0 : i32
    return %arg0, %c0_i32 : i32, i32
  }
}

</mosaic_0001>

<sc_bundles>
// kernel: kernel.4.cloned.1.call-start
scs
__scs_entry_jumppad:
0x0: {  	(pc) =	sbr.rel $0x88, $3  }
0x1: {  	(tag) =	ssettag $0x0;
	lr =	simm.s32 $0x1  }
0x2: {  	[smem:$0x3F9A] =	sst lr;
	_ =	strace $0xD0000000  }
0x3: {  	_ = 	snop  }
0x4: {  	_ = 	snop  }
0x5: {  	_ = 	snop  }
0x6: {  	_ = 	snop  }
0x7: {  	_ = 	snop  }
__scs_overlays_trampoline_lowered:
0x8: {  	[smem:$0x3FA9] =	sst s0  }
0x9: {  	[smem:$0x3FAA] =	sst s1  }
0xa: {  	[smem:$0x3FAB] =	sst s2  }
0xb: {  	[smem:$0x3FAC] =	sst s3  }
0xc: {  	[smem:$0x3FAD] =	sst s4  }
0xd: {  	[smem:$0x3FAE] =	sst s5  }
0xe: {  	[smem:$0x3FAF] =	sst s6  }
0xf: {  	[smem:$0x3FB0] =	sst s7  }
0x10: {  	[smem:$0x3FB1] =	sst s8  }
0x11: {  	[smem:$0x3FB2] =	sst s9;
	s0 =	simm.s32 @!p0 $0x0  }
0x12: {  	s1 =	sld [smem:$0x3F98];
	s0 =	simm.s32 @p0 $0x1  }
0x13: {  	[smem:$0x3FB3] =	sst s0;
	s0 =	simm.s32 @!p1 $0x0  }
0x14: {  	s2 =	sld [smem:$0x3F97];
	s0 =	simm.s32 @p1 $0x1  }
0x15: {  	[smem:$0x3FB4] =	sst s0;
	s0 =	simm.s32 @!p2 $0x0  }
0x16: {  	s3 =	sld [smem:$0x3FDB];
	s0 =	simm.s32 @p2 $0x1  }
0x17: {  	s4 =	simm.s32 $0x1BF5;
	[smem:$0x3FB6] =	sst s0  }
0x18: {  	s0 =	sld [smem:$0x3F99];
	_ =	swait.ge [sflag:s4], $0x0  }
0x19: {  	s7 =	sld [smem:$0x3F9A]  }
0x1a: {  	s8 =	sadd.s32 $0xFFFFE003, lr  }
0x1b: {  	s9 =	sadd.s32 $0xFFFFFEF7, lr;
	s5 =	simm.s32 $0xFFFFFFFF;
	p2 =	slt.u32 s8, $0xFFFFF086  }
0x1c: {  	p1 =	slt.u32 s9, $0xF7A;
	s5 =	simm.s32 @!p2 $0x0  }
0x1d: {  	s5 =	simm.s32 @p1 $0x1;
	p0 =	seq.s32 s7, s2  }
0x1e: {  	s7 =	smul.u32 @!p0 $0xF7A, s2;
	p2 =	seq.s32 @!p0 s5, $0x0  }
0x1f: {  	s9 =	smul.u32 $0xF7A, s1;
	s8 =	simm.s32 @!p0 $0x1BF5;
	p2 =	por !p2, p0  }
0x20: {  	[sflag:s8] =	ssyncset.s32 @!p0 $0xFFFFF086;
	s6 =	sadd.s32 @!p0 s3, s7;
	s7 =	simm.s32 @!p0 $0x108  }
0x21: {  	s3 =	sadd.s32 s3, s9;
	s6 =	sadd.s32 @!p0 $0x88, s6;
	s7 =	simm.s32 @p2 $0x1082  }
0x22: {  	[simem:s7], [sflag:s8] =	dma.local @!p0 [hbm:s6], $0xF7A  }
0x23: {  	s9 =	sor.u32 $0xD0000000, s2;
	s6 =	simm.s32 $0x108;
	_ =	swait.ge @!p0 [sflag:s8], $0x0  }
0x24: {  	s3 =	sadd.s32 $0x88, s3;
	s6 =	simm.s32 @!p1 $0x1082;
	[sflag:s4] =	ssyncset.s32 $0xFFFFF086  }
0x25: {  	[simem:s6], [sflag:s4] =	dma.local [hbm:s3], $0xF7A  }
0x26: {  	[smem:$0x3F9A] =	sst s1;
	(tag) =	ssettag s2;
	_ =	strace s9  }
0x27: {  	s1 =	sld [smem:$0x3FAA]  }
0x28: {  	s2 =	sld [smem:$0x3FAB]  }
0x29: {  	s4 =	sld [smem:$0x3FAD]  }
0x2a: {  	p0 =	seq.s32 s5, $0x0;
	s5 =	sld [smem:$0x3FAE]  }
0x2b: {  	s6 =	sld [smem:$0x3FAF]  }
0x2c: {  	s7 =	sld [smem:$0x3FB0]  }
0x2d: {  	s3 =	simm.s32 $0x108;
	s8 =	sld [smem:$0x3FB1]  }
0x2e: {  	s3 =	simm.s32 @!p0 $0x1082;
	s9 =	sld [smem:$0x3FB2]  }
0x2f: {  	lr =	sadd.s32 s0, s3;
	s0 =	sld [smem:$0x3FA9]  }
0x30: {  	s3 =	sld [smem:$0x3FAC]  }
0x31: {  	[smem:$0x3FB5] =	sst s10  }
0x32: {  	s10 =	sld [smem:$0x3FB3];
	_ =	sdelay $0x3  }
0x33: {  	p0 =	seq.s32 s10, $0x1;
	s10 =	sld [smem:$0x3FB5];
	_ =	sdelay $0x3  }
0x34: {  	[smem:$0x3FB5] =	sst s10  }
0x35: {  	s10 =	sld [smem:$0x3FB4];
	_ =	sdelay $0x3  }
0x36: {  	p1 =	seq.s32 s10, $0x1;
	s10 =	sld [smem:$0x3FB5];
	_ =	sdelay $0x3  }
0x37: {  	[smem:$0x3FB5] =	sst s10  }
0x38: {  	s10 =	sld [smem:$0x3FB6]  }
0x39: {  	_ = 	snop;
	(pc) =	sbr.ind lr, $3  }
0x3a: {  	_ = 	snop  }
0x3b: {  	_ = 	snop  }
0x3c: {  	p2 =	seq.s32 s10, $0x1;
	s10 =	sld [smem:$0x3FB5]  }
0x3d: {  	_ =	shalt  }
0x3e: {  	_ =	shalt  }
0x3f: {  	_ =	shalt  }
0x40: {  	_ =	shalt  }
0x41: {  	_ =	shalt  }
0x42: {  	_ =	shalt  }
0x43: {  	_ =	shalt  }
0x44: {  	_ =	shalt  }
0x45: {  	_ =	shalt  }
0x46: {  	_ =	shalt  }
0x47: {  	_ =	shalt  }
0x48: {  	_ =	shalt  }
0x49: {  	_ =	shalt  }
0x4a: {  	_ =	shalt  }
0x4b: {  	_ =	shalt  }
0x4c: {  	_ =	shalt  }
0x4d: {  	_ =	shalt  }
0x4e: {  	_ =	shalt  }
0x4f: {  	_ =	shalt  }
0x50: {  	_ =	shalt  }
0x51: {  	_ =	shalt  }
0x52: {  	_ =	shalt  }
0x53: {  	_ =	shalt  }
0x54: {  	_ =	shalt  }
0x55: {  	_ =	shalt  }
0x56: {  	_ =	shalt  }
0x57: {  	_ =	shalt  }
0x58: {  	_ =	shalt  }
0x59: {  	_ =	shalt  }
0x5a: {  	_ =	shalt  }
0x5b: {  	_ =	shalt  }
0x5c: {  	_ =	shalt  }
0x5d: {  	_ =	shalt  }
0x5e: {  	_ =	shalt  }
0x5f: {  	_ =	shalt  }
0x60: {  	_ =	shalt  }
0x61: {  	_ =	shalt  }
0x62: {  	_ =	shalt  }
0x63: {  	_ =	shalt  }
0x64: {  	_ =	shalt  }
0x65: {  	_ =	shalt  }
0x66: {  	_ =	shalt  }
0x67: {  	_ =	shalt  }
0x68: {  	_ =	shalt  }
0x69: {  	_ =	shalt  }
0x6a: {  	_ =	shalt  }
0x6b: {  	_ =	shalt  }
0x6c: {  	_ =	shalt  }
0x6d: {  	_ =	shalt  }
0x6e: {  	_ =	shalt  }
0x6f: {  	_ =	shalt  }
0x70: {  	_ =	shalt  }
0x71: {  	_ =	shalt  }
0x72: {  	_ =	shalt  }
0x73: {  	_ =	shalt  }
0x74: {  	_ =	shalt  }
0x75: {  	_ =	shalt  }
0x76: {  	_ =	shalt  }
0x77: {  	_ =	shalt  }
0x78: {  	_ =	shalt  }
0x79: {  	_ =	shalt  }
0x7a: {  	_ =	shalt  }
0x7b: {  	_ =	shalt  }
0x7c: {  	_ =	shalt  }
0x7d: {  	_ =	shalt  }
0x7e: {  	_ =	shalt  }
0x7f: {  	_ =	shalt  }
0x80: {  	_ =	shalt  }
0x81: {  	_ =	shalt  }
0x82: {  	_ =	shalt  }
0x83: {  	_ =	shalt  }
0x84: {  	_ =	shalt  }
0x85: {  	_ =	shalt  }
0x86: {  	_ =	shalt  }
0x87: {  	_ =	shalt  }
.Lfunc_end0:
.L_simem_size_0:
called_computation_lowered:
.L_overlay_start_0:
0x88: {  	s2 =	sld [smem:$0x3FD9]  }
0x89: {  	s3 =	sld [smem:$0x3FFE];
	_ =	sdelay $0x1  }
0x8a: {  	s1 =	srdreg.scid  }
0x8b: {  	s0 =	sand.u32 $0x1, s1  }
0x8c: {  	s17 =	sshll.u32 s0, $0xA;
	s2 =	sadd.s32 s3, s2  }
0x8d: {  	s2 =	sadd.s32 s2, s17  }
0x8e: {  	[smem:$0x3FC1] =	sst s2  }
0x8f: {  	_ = 	snop  }
0x90: {  	s2 =	sld [smem:$0x3FC7]  }
0x91: {  	s18 =	sld [smem:$0x3FD0];
	(tm) =	ssettm $0x1  }
0x92: {  	s4 =	sld [smem:$0x3FFB];
	_ =	sdelay $0x3  }
0x93: {  	_ =	strace s4  }
0x94: {  	s4 =	sld [smem:$0x3FFC];
	_ =	sdelay $0x3  }
0x95: {  	_ =	strace s4  }
0x96: {  	s4 =	sld [smem:$0x3FFD];
	_ =	sdelay $0x3  }
0x97: {  	_ =	strace s4  }
0x98: {  	_ =	strace $0x8FFFFFFF  }
0x99: {  	s19 =	sld [smem:$0x3FDB];
	_ =	sdelay $0x1  }
0x9a: {  	s5 =	simm.s32 $_scs_section_size  }
0x9b: {  	s6 =	simm.s32 $_size__tile_overlayer_lowered;
	s7 =	simm.s32 $_tile_overlayer_lowered  }
0x9c: {  	s22 =	simm.s32 $0x1BFF;
	s21 =	sshll.u32 s7, $0x1;
	s4 =	sadd.s32 s5, s19  }
0x9d: {  	s8 =	simm.s32 $0x0;
	s20 =	sshll.u32 s6, $0x1;
	s6 =	sadd.s32 s21, s4  }
0x9e: {  	[timem:s8], [sflag:s22] =	dma.local [hbm:s6], s20  }
0x9f: {  	_ =	swait.ge [sflag:s22], s20  }
0xa0: {  	s5 =	ssub.s32 $0x0, s20;
	[sflag:s22] =	ssyncset.done $0x0  }
0xa1: {  	[sflag:s22] =	ssyncadd.s32 s5;
	_ =	sdelay $0x1  }
0xa2: {  	s23 =	simm.s32 $0x1B8B  }
0xa3: {  	_ =	swait.ge [sflag:s23], $0x1  }
0xa4: {  	[sflag:s23] =	ssyncset.done $0x0  }
0xa5: {  	s25 =	simm.s32 $0x1B8E;
	s24 =	sld [smem:$0x3FFE];
	[sflag:s23] =	ssyncadd.s32 $0xFFFFFFFF  }
0xa6: {  	s26 =	simm.s32 $execute0_lowered;
	[smem:$0x3FD2] =	sst s25  }
0xa7: {  	s6 =	sshll.u32 s26, $0x1;
	_ =	strace $0x80000046;
	[dreg:$0x1] =	wrdreg $0xFFFFFFFF  }
0xa8: {  	s28 =	simm.s32 $_size_execute0_lowered;
	s4 =	sadd.s32 s4, s6;
	[dreg:$0x0] =	wrdreg $0x0  }
0xa9: {  	s6 =	sshll.u32 s28, $0x1;
	[dreg:$0x2] =	wrdreg s4  }
0xaa: {  	[dreg:$0x3] =	wrdreg s6  }
0xab: {  	[dreg:$0x4] =	wrdreg $0xC0  }
0xac: {  	_ =	task [dreg:s8], $0x5FFFF  }
0xad: {  	[dreg:$0x1] =	wrdreg $0xFFFFFFFF  }
0xae: {  	[dreg:$0x0] =	wrdreg $0x60  }
0xaf: {  	[dreg:$0x2] =	wrdreg s18  }
0xb0: {  	[dreg:$0x3] =	wrdreg s2  }
0xb1: {  	[dreg:$0x4] =	wrdreg s24  }
0xb2: {  	[dreg:$0x5] =	wrdreg $0x9  }
0xb3: {  	_ =	task.clear_ibuf [dreg:s8], $0x6FFFF;
	_ =	strace $0x90000046  }
0xb4: {  	s29 =	simm.s32 $0x9;
	_ =	strace $0x80000048  }
0xb5: {  	_ =	swait.ge [sflag:s29], $0x1  }
0xb6: {  	[sflag:s29] =	ssyncadd.s32 $0xFFFFFFFF  }
0xb7: {  	_ =	strace $0x90000048  }
0xb8: {  	_ =	sfence  }
0xb9: {  	s30 =	sld [smem:$0x0];
	_ =	sdelay $0x2  }
0xba: {  	s31 =	sshll.u32 s1, $0xD;
	s1 =	sshrl.u32 s1, $0x2  }
0xbb: {  	s3 =	sand.u32 $0x4000, s31;
	s1 =	sadd.s32 s1, s30  }
0xbc: {  	s0 =	sor.u32 s3, s0;
	s1 =	sshll.u32 s1, $0x11  }
0xbd: {  	s0 =	sor.u32 s1, s0  }
0xbe: {  	s0 =	sadd.s32 $0x8F2B, s0  }
0xbf: {  	[sflag:s0] =	ssyncadd.remote.s32 $0x1  }
0xc0: {  	_ =	sfence.sel $0xFFFF  }
0xc1: {  	[dreg:$0x0] =	wrdreg $0xFFFFFFFF;
	(pc) =	sbr.abs _section_cstart, $3  }
0xc2: {  	[dreg:$0x1] =	wrdreg $0xFFFFFFFF  }
0xc3: {  	_ =	task.clear_ibuf [dreg:s8], $0x2FFFF;
	_ =	strace $0x9FFFFFFF  }
0xc4: {  	(tm) =	ssettm $0x7FFFFFFF  }
0xc5: {  	_ =	shalt  }
tec
execute0_lowered:
.L_overlay_start_1:
0x0: {  	(tag) =	ssettag $0x1  }
0x1: {  	s6 =	rddreg [dreg:$0x0]  }
0x2: {  	s2 =	rddreg [dreg:$0x1]  }
0x3: {  	s4 =	rddreg [dreg:$0x2];
	s3 =	srdreg.scid  }
0x4: {  	s0 =	rddreg [dreg:$0x3];
	s1 =	stileid.u32;
	s5 =	sand.u32 $0x1, s3  }
0x5: {  	s3 =	simm.s32 $0x0;
	s7 =	sshll.u32 s1, $0x13;
	s30 =	sshll.u32 s1, $0xF  }
0x6: {  	s8 =	ssub.s32 $0x2, s5;
	[smem:$0x7FF] =	sst s3;
	s7 =	sadd.s32 s7, s4  }
0x7: {  	s9 =	sshll.u32 s5, $0xE;
	s5 =	sshll.u32 s5, $0x12;
	s29 =	sshrl.u32 s8, $0x1  }
0x8: {  	_ =	strace $0x80000047;
	s4 =	ssub.s32 s8, s29;
	s8 =	sor.u32 s9, s30  }
0x9: {  	s5 =	sadd.s32 s5, s7;
	s7 =	simm.s32 $0x0;
	s31 =	sshrl.u32 s8, $0x3  }
0xa: {  	s5 =	sadd.s32 $0xE00, s5;
	s4 =	smax.u32 s4, $0x1;
	s6 =	sadd.s32 s31, s6  }
.LBB2_1:
0xb: {  	s8 =	sand.u32 $0x3, s3  }
0xc: {  	p1 =	sne.s32 s8, $0x0  }
0xd: {  	s11 =	sand.u32 $0x1, s3;
	s9 =	simm.s32 @!p1 $0x0;
	s10 =	simm.s32 @!p1 $0x3  }
0xe: {  	[tilespmem:s9], [sflag:$0x3] =	stream.linear.gather @!p1 [hbm4b:s6+s9], $0x400, $0x38;
	[tilespmem:$0x10400] =	vst v63  }
0xf: {  	p0 =	seq.s32 s11, $0x1;
	_ =	swait.ge @!p1 [sflag:s10], $0x400  }
0x10: {  	s11 =	simm.s32 @p0 $0x80;
	[sflag:s10] =	ssyncset.done @!p1 $0x0  }
0x11: {  	s9 =	sshll.u32 @p0 s8, $0x8;
	[sflag:s10] =	ssyncadd.s32 @!p1 $0xFFFFFC00;
	s10 =	simm.s32 @p0 $0x8400  }
0x12: {  	[tilespmem:s10], [sflag:$0x1] =	stream.indirect.gather @p0 [hbm4b:s2+s11], $0x80, s9, s11, $0xb8;
	[tilespmem:$0x10400] =	vst v63  }
0x13: {  	s12 =	simm.s32 @p0 $0xC400;
	s13 =	simm.s32 @p0 $0x1;
	s9 =	sor.u32 @p0 $0x80, s9  }
0x14: {  	[tilespmem:s12], [sflag:$0x1] =	stream.indirect.gather @p0 [hbm4b:s2+s11], $0x80, s9, s11, $0xb8;
	[tilespmem:$0x10400] =	vst v63  }
0x15: {  	_ =	swait.ge @p0 [sflag:s13], $0x4000  }
0x16: {  	[sflag:s13] =	ssyncset.done @p0 $0x0  }
0x17: {  	[sflag:s13] =	ssyncadd.s32 @p0 $0xFFFFC000  }
0x18: {  	_ =	swait.ge @p0 [sflag:s13], $0x4000  }
0x19: {  	[sflag:s13] =	ssyncset.done @p0 $0x0  }
0x1a: {  	s9 =	simm.s32 @p0 $0x0;
	s11 =	simm.s32 @p0 $0x2;
	[sflag:s13] =	ssyncadd.s32 @p0 $0xFFFFC000  }
0x1b: {  	[hbm4b:s5+s9] =	stream.linear.scatter @p0 [tilespmem:s10], [sflag:$0x2], $0x8000, $0x38;
	[tilespmem:$0x10400] =	vst v63  }
0x1c: {  	_ =	swait.ge @p0 [sflag:s11], $0x8000  }
0x1d: {  	s8 =	sshll.u32 @!p0 s8, $0x8;
	[sflag:s11] =	ssyncset.done @p0 $0x0  }
0x1e: {  	s9 =	simm.s32 @!p0 $0x400;
	s10 =	simm.s32 @!p0 $0x80;
	[sflag:s11] =	ssyncadd.s32 @p0 $0xFFFF8000  }
0x1f: {  	[tilespmem:s9], [sflag:$0x1] =	stream.indirect.gather @!p0 [hbm4b:s2+s10], $0x80, s8, s10, $0xb8;
	[tilespmem:$0x10400] =	vst v63  }
0x20: {  	s13 =	simm.s32 @!p0 $0x1;
	s11 =	simm.s32 @!p0 $0x4400;
	s8 =	sor.u32 @!p0 $0x80, s8  }
0x21: {  	[tilespmem:s11], [sflag:$0x1] =	stream.indirect.gather @!p0 [hbm4b:s2+s10], $0x80, s8, s10, $0xb8;
	[tilespmem:$0x10400] =	vst v63  }
0x22: {  	_ =	swait.ge @!p0 [sflag:s13], $0x4000  }
0x23: {  	[sflag:s13] =	ssyncset.done @!p0 $0x0  }
0x24: {  	[sflag:s13] =	ssyncadd.s32 @!p0 $0xFFFFC000  }
0x25: {  	s12 =	simm.s32 $0x1;
	s11 =	simm.s32 $0x2;
	_ =	swait.ge @!p0 [sflag:s13], $0x4000  }
0x26: {  	s8 =	simm.s32 @!p0 $0x0;
	s10 =	sand.u32 $0x3, s12;
	[sflag:s13] =	ssyncset.done @!p0 $0x0  }
0x27: {  	p2 =	sne.s32 s10, $0x0;
	[sflag:s13] =	ssyncadd.s32 @!p0 $0xFFFFC000;
	s13 =	simm.s32 @!p0 $0x3  }
0x28: {  	[hbm4b:s5+s8] =	stream.linear.scatter @!p0 [tilespmem:s9], [sflag:$0x3], $0x8000, $0x38;
	[tilespmem:$0x10400] =	vst v63  }
0x29: {  	s9 =	sadd.s32 $0x20, s6;
	s8 =	sadd.s32 $0x1000, s5;
	_ =	swait.ge @!p0 [sflag:s13], $0x8000  }
.LBB2_2:
0x2a: {  	s14 =	simm.s32 @!p2 $0x0  }
0x2b: {  	s15 =	simm.s32 @!p2 $0x3;
	[sflag:s13] =	ssyncset.done @!p0 $0x0;
	s16 =	smov.u32 s11  }
0x2c: {  	s11 =	sadd.s32 $0x1, s11;
	s12 =	sand.u32 $0x1, s12;
	[sflag:s13] =	ssyncadd.s32 @!p0 $0xFFFF8000  }
0x2d: {  	[tilespmem:s14], [sflag:$0x3] =	stream.linear.gather @!p2 [hbm4b:s9+s14], $0x400, $0x38;
	[tilespmem:$0x10400] =	vst v63  }
0x2e: {  	p1 =	sne.s32 s11, $0x40;
	p0 =	seq.s32 s12, $0x1;
	_ =	swait.ge @!p2 [sflag:s15], $0x400  }
0x2f: {  	s12 =	sshll.u32 @p0 s10, $0x8;
	s13 =	simm.s32 @p0 $0x80;
	[sflag:s15] =	ssyncset.done @!p2 $0x0  }
0x30: {  	s14 =	simm.s32 @p0 $0x8400;
	[sflag:s15] =	ssyncadd.s32 @!p2 $0xFFFFFC00;
	s15 =	simm.s32 @p0 $0xC400  }
0x31: {  	[tilespmem:s14], [sflag:$0x1] =	stream.indirect.gather @p0 [hbm4b:s2+s13], $0x80, s12, s13, $0xb8;
	[tilespmem:$0x10400] =	vst v63  }
0x32: {  	s18 =	simm.s32 @p0 $0x1;
	s17 =	sor.u32 @p0 $0x80, s12;
	s12 =	smov.u32 s16  }
0x33: {  	[tilespmem:s15], [sflag:$0x1] =	stream.indirect.gather @p0 [hbm4b:s2+s13], $0x80, s17, s13, $0xb8;
	[tilespmem:$0x10400] =	vst v63  }
0x34: {  	_ =	swait.ge @p0 [sflag:s18], $0x4000  }
0x35: {  	[sflag:s18] =	ssyncset.done @p0 $0x0  }
0x36: {  	[sflag:s18] =	ssyncadd.s32 @p0 $0xFFFFC000  }
0x37: {  	_ =	swait.ge @p0 [sflag:s18], $0x4000  }
0x38: {  	s13 =	simm.s32 @p0 $0x0;
	[sflag:s18] =	ssyncset.done @p0 $0x0  }
0x39: {  	s15 =	simm.s32 @p0 $0x2;
	[sflag:s18] =	ssyncadd.s32 @p0 $0xFFFFC000  }
0x3a: {  	[hbm4b:s8+s13] =	stream.linear.scatter @p0 [tilespmem:s14], [sflag:$0x2], $0x8000, $0x38;
	[tilespmem:$0x10400] =	vst v63  }
0x3b: {  	s14 =	simm.s32 @!p0 $0x400;
	_ =	swait.ge @p0 [sflag:s15], $0x8000  }
0x3c: {  	s10 =	sshll.u32 @!p0 s10, $0x8;
	s13 =	simm.s32 @!p0 $0x80;
	[sflag:s15] =	ssyncset.done @p0 $0x0  }
0x3d: {  	s16 =	simm.s32 @!p0 $0x4400;
	[sflag:s15] =	ssyncadd.s32 @p0 $0xFFFF8000;
	s15 =	sor.u32 @!p0 $0x80, s10  }
0x3e: {  	[tilespmem:s14], [sflag:$0x1] =	stream.indirect.gather @!p0 [hbm4b:s2+s13], $0x80, s10, s13, $0xb8;
	[tilespmem:$0x10400] =	vst v63  }
0x3f: {  	s17 =	simm.s32 @!p0 $0x1  }
0x40: {  	[tilespmem:s16], [sflag:$0x1] =	stream.indirect.gather @!p0 [hbm4b:s2+s13], $0x80, s15, s13, $0xb8;
	[tilespmem:$0x10400] =	vst v63  }
0x41: {  	_ =	swait.ge @!p0 [sflag:s17], $0x4000  }
0x42: {  	[sflag:s17] =	ssyncset.done @!p0 $0x0  }
0x43: {  	[sflag:s17] =	ssyncadd.s32 @!p0 $0xFFFFC000  }
.Ltmp0:
0x44: {  	_ =	swait.ge @!p0 [sflag:s17], $0x4000;
	(pc) =	sbr.rel @p1 .LBB2_2-.Ltmp0, $4  }
0x45: {  	s9 =	sadd.s32 $0x20, s9;
	s15 =	simm.s32 @!p0 $0x0;
	[sflag:s17] =	ssyncset.done @!p0 $0x0  }
0x46: {  	s10 =	sand.u32 $0x3, s12;
	s13 =	simm.s32 @!p0 $0x3;
	[sflag:s17] =	ssyncadd.s32 @!p0 $0xFFFFC000  }
0x47: {  	[hbm4b:s8+s15] =	stream.linear.scatter @!p0 [tilespmem:s14], [sflag:$0x3], $0x8000, $0x38;
	[tilespmem:$0x10400] =	vst v63  }
0x48: {  	p2 =	sne.s32 s10, $0x0;
	s8 =	sadd.s32 $0x1000, s8;
	_ =	swait.ge @!p0 [sflag:s13], $0x8000  }
0x49: {  	s11 =	simm.s32 @!p2 $0x0;
	[sflag:s13] =	ssyncset.done @!p0 $0x0  }
0x4a: {  	s14 =	simm.s32 @!p2 $0x3;
	s12 =	sand.u32 $0x1, s12;
	[sflag:s13] =	ssyncadd.s32 @!p0 $0xFFFF8000  }
0x4b: {  	[tilespmem:s11], [sflag:$0x3] =	stream.linear.gather @!p2 [hbm4b:s9+s11], $0x400, $0x38;
	[tilespmem:$0x10400] =	vst v63  }
0x4c: {  	p0 =	seq.s32 s12, $0x1;
	_ =	swait.ge @!p2 [sflag:s14], $0x400  }
0x4d: {  	s9 =	sshll.u32 @p0 s10, $0x8;
	[sflag:s14] =	ssyncset.done @!p2 $0x0  }
0x4e: {  	s11 =	simm.s32 @p0 $0x80;
	s12 =	simm.s32 @p0 $0x8400;
	[sflag:s14] =	ssyncadd.s32 @!p2 $0xFFFFFC00  }
0x4f: {  	[tilespmem:s12], [sflag:$0x1] =	stream.indirect.gather @p0 [hbm4b:s2+s11], $0x80, s9, s11, $0xb8;
	[tilespmem:$0x10400] =	vst v63  }
0x50: {  	s13 =	simm.s32 @p0 $0xC400;
	s14 =	simm.s32 @p0 $0x1;
	s9 =	sor.u32 @p0 $0x80, s9  }
0x51: {  	[tilespmem:s13], [sflag:$0x1] =	stream.indirect.gather @p0 [hbm4b:s2+s11], $0x80, s9, s11, $0xb8;
	[tilespmem:$0x10400] =	vst v63  }
0x52: {  	_ =	swait.ge @p0 [sflag:s14], $0x4000  }
0x53: {  	[sflag:s14] =	ssyncset.done @p0 $0x0  }
0x54: {  	[sflag:s14] =	ssyncadd.s32 @p0 $0xFFFFC000  }
0x55: {  	_ =	swait.ge @p0 [sflag:s14], $0x4000  }
0x56: {  	[sflag:s14] =	ssyncset.done @p0 $0x0  }
0x57: {  	s9 =	simm.s32 @p0 $0x0;
	s11 =	simm.s32 @p0 $0x2;
	[sflag:s14] =	ssyncadd.s32 @p0 $0xFFFFC000  }
0x58: {  	[hbm4b:s8+s9] =	stream.linear.scatter @p0 [tilespmem:s12], [sflag:$0x2], $0x8000, $0x38;
	[tilespmem:$0x10400] =	vst v63  }
0x59: {  	_ =	swait.ge @p0 [sflag:s11], $0x8000  }
0x5a: {  	s10 =	sshll.u32 @!p0 s10, $0x8;
	[sflag:s11] =	ssyncset.done @p0 $0x0  }
0x5b: {  	s9 =	simm.s32 @!p0 $0x400;
	s12 =	simm.s32 @!p0 $0x80;
	[sflag:s11] =	ssyncadd.s32 @p0 $0xFFFF8000  }
0x5c: {  	[tilespmem:s9], [sflag:$0x1] =	stream.indirect.gather @!p0 [hbm4b:s2+s12], $0x80, s10, s12, $0xb8;
	[tilespmem:$0x10400] =	vst v63  }
0x5d: {  	s13 =	simm.s32 @!p0 $0x1;
	s11 =	simm.s32 @!p0 $0x4400;
	s10 =	sor.u32 @!p0 $0x80, s10  }
0x5e: {  	[tilespmem:s11], [sflag:$0x1] =	stream.indirect.gather @!p0 [hbm4b:s2+s12], $0x80, s10, s12, $0xb8;
	[tilespmem:$0x10400] =	vst v63  }
0x5f: {  	_ =	swait.ge @!p0 [sflag:s13], $0x4000  }
0x60: {  	[sflag:s13] =	ssyncset.done @!p0 $0x0  }
0x61: {  	[sflag:s13] =	ssyncadd.s32 @!p0 $0xFFFFC000  }
0x62: {  	s7 =	sadd.s32 $0x1, s7;
	_ =	swait.ge @!p0 [sflag:s13], $0x4000  }
0x63: {  	p1 =	sne.s32 s7, s4;
	s10 =	simm.s32 @!p0 $0x0;
	[sflag:s13] =	ssyncset.done @!p0 $0x0  }
.Ltmp1:
0x64: {  	s11 =	simm.s32 @!p0 $0x3;
	[sflag:s13] =	ssyncadd.s32 @!p0 $0xFFFFC000;
	(pc) =	sbr.rel @p1 .LBB2_1-.Ltmp1, $4  }
0x65: {  	[hbm4b:s8+s10] =	stream.linear.scatter @!p0 [tilespmem:s9], [sflag:$0x3], $0x8000, $0x38;
	[tilespmem:$0x10400] =	vst v63  }
0x66: {  	_ =	swait.ge @!p0 [sflag:s11], $0x8000  }
0x67: {  	[sflag:s11] =	ssyncset.done @!p0 $0x0  }
0x68: {  	[sflag:s11] =	ssyncadd.s32 @!p0 $0xFFFF8000  }
0x69: {  	_ =	sfence.sel $0x180000  }
0x6a: {  	[bflag:$0x0] =	sbarrier.arrive $0xFFFF  }
0x6b: {  	p0 =	sne.s32 s1, $0x0;
	_ =	strace $0x90000047  }
0x6c: {  	s0 =	sadd.s32 @!p0 $0x100000, s0;
	[bflag:$0x2] =	sbarrier.arrive $0xFFFF  }
0x6d: {  	[sflag:s0] =	ssyncadd.tile.s32 @!p0 $0x1;
	_ =	shalt  }
.Lfunc_end2:
_tile_overlayer_lowered:
.L_overlay_start_2:
0x6e: {  	(tag) =	ssettag $0x2  }
0x6f: {  	s0 =	rddreg [dreg:$0x0];
	s2 =	stileid.u32  }
0x70: {  	s1 =	rddreg [dreg:$0x1];
	p0 =	sne.s32 s2, $0x0  }
0x71: {  	s3 =	rddreg [dreg:$0x2];
	[bflag:$0x3] =	sbarrier.arrive $0xFFFF;
	s2 =	simm.s32 @!p0 $0x1C02  }
0x72: {  	[timem:s3], [sflag:s2] =	dma.local @!p0 [hbm:s0], s1  }
0x73: {  	s0 =	simm.s32 @!p0 $0x2  }
0x74: {  	_ =	swait.ge @!p0 [sflag:s0], s1  }
0x75: {  	s1 =	ssub.s32 @!p0 $0x0, s1;
	[sflag:s0] =	ssyncset.done @!p0 $0x0  }
0x76: {  	[sflag:s0] =	ssyncadd.s32 @!p0 s1  }
0x77: {  	[bflag:$0x3] =	sbarrier.arrive $0xFFFF  }
0x78: {  	_ =	shalt  }

</sc_bundles>
